<compile_context>
chip_gen: v7x
topology: tpu7x:2x2x1
jax: 0.10.2.dev20260603
libtpu: 0.0.44.dev20260713+nightly
codegen_flags: <defaults>
</compile_context>

<pallas_src>
import jax
import jax.numpy as jnp
from jax import lax
from jax.experimental import pallas as pl
from jax.experimental.pallas import tpu as pltpu
from jax.experimental.pallas import tpu_sc as plsc

VOCAB = 32000
HIDDEN = 4096
BATCH = 4
SEQ = 4096

NC = 2
NS = 16
NW = NC * NS

B = BATCH * SEQ
B_PER_W = B // NW
K = 8
NBUF = 2
RA = 1
NCHUNK = B_PER_W // K


def _gather_body(ids_hbm, table_hbm, out_hbm, idx_v, bufs, gsems, psems):
    wid = lax.axis_index("s") * NC + lax.axis_index("c")
    base = wid * B_PER_W

    pltpu.sync_copy(ids_hbm.at[pl.ds(base, B_PER_W)], idx_v)

    def gather_start(g, b):
        pltpu.async_copy(table_hbm.at[idx_v.at[pl.ds(g * K, K)]], bufs[b],
                         gsems[b])

    def gather_wait(b):
        pltpu.make_async_copy(table_hbm.at[idx_v.at[pl.ds(0, K)]], bufs[b],
                              gsems[b]).wait()

    def put_start(g, b):
        pltpu.async_copy(bufs[b], out_hbm.at[pl.ds(base + g * K, K)], psems[b])

    def put_wait(b):
        pltpu.make_async_copy(bufs[b], out_hbm.at[pl.ds(base, K)],
                              psems[b]).wait()


    def iter_step(i, b, bnext, do_putwait, do_gather):
        if do_gather:
            if do_putwait:
                put_wait(bnext)
            gather_start(i + RA, bnext)
        gather_wait(b)
        put_start(i, b)

    for g in range(RA):
        gather_start(g, g % NBUF)

    H = NBUF - RA
    BULK = ((NCHUNK - RA) - H) // NBUF * NBUF
    for i in range(H):
        iter_step(i, i % NBUF, (i + RA) % NBUF, False, True)

    @pl.loop(H, H + BULK, step=NBUF)
    def _(i0):
        for j in range(NBUF):
            iter_step(i0 + j, (H + j) % NBUF, (H + j + RA) % NBUF, True, True)

    for i in range(H + BULK, NCHUNK - RA):
        iter_step(i, i % NBUF, (i + RA) % NBUF, True, True)
    for i in range(NCHUNK - RA, NCHUNK):
        iter_step(i, i % NBUF, None, False, False)
    for g in range(NCHUNK - NBUF, NCHUNK):
        put_wait(g % NBUF)


@jax.jit
def _embed_gather(ids, W):
    mesh = plsc.VectorSubcoreMesh(core_axis_name="c", subcore_axis_name="s")
    run = pl.kernel(
        _gather_body,
        out_type=jax.ShapeDtypeStruct((B, HIDDEN), jnp.float32),
        mesh=mesh,
        compiler_params=pltpu.CompilerParams(use_tc_tiling_on_sc=False),
        scratch_types=[
            pltpu.VMEM((B_PER_W,), jnp.int32),
            [pltpu.VMEM((K, HIDDEN), jnp.float32) for _ in range(NBUF)],
            [pltpu.SemaphoreType.DMA for _ in range(NBUF)],
            [pltpu.SemaphoreType.DMA for _ in range(NBUF)],
        ],
    )
    return run(ids, W)


def kernel(inputs, W):
    ids = inputs[..., 0].reshape(B)
    attention_mask = inputs[..., 1]
    hidden = _embed_gather(ids, W)
    return hidden.reshape(BATCH, SEQ, HIDDEN), attention_mask

# --- scband reference (transcript-rebuilt; emitter-appended) ---
"""Pipeline reference for scband-llama-enter-9096740733728 (READ-ONLY COPY).

The authoritative reference and input builder live on the scoring server;
editing this copy changes nothing except your own understanding.
"""

import jax, jax.numpy as jnp
import numpy as np

VOCAB = 32000
HIDDEN = 4096
BATCH = 4
SEQ = 4096
PAD_IDX = 0

def setup_inputs(seed: int = 0) -> dict:
    key = jax.random.key(seed)
    k1, k2 = jax.random.split(key)
    inputs = jax.random.randint(k1, (BATCH, SEQ, 2), 0, VOCAB, dtype=jnp.int64 if jax.config.jax_enable_x64 else jnp.int32)
    inputs = inputs.astype(jnp.int32)
    # embedding table: normal init with std=0.02, padding row zeroed
    W = jax.random.normal(k2, (VOCAB, HIDDEN), dtype=jnp.float32) * 0.02
    W = W.at[PAD_IDX].set(0.0)
    return {"inputs": inputs, "W": W}

def reference(inputs, W):
    # inputs[..., 0] -> input_ids, inputs[..., 1] -> attention_mask
    input_ids = inputs[..., 0]
    attention_mask = inputs[..., 1]
    # embedding lookup (gather rows of W)
    hidden_states = jnp.take(W, input_ids, axis=0)
    attention_mask = attention_mask + 0  # clone
    return (hidden_states, attention_mask)

if __name__ == "__main__":
    import jax
    _d = setup_inputs()
    print(jax.jit(kernel)(*tuple(_d.values())))

</pallas_src>

<mosaic_0001>
#map = affine_map<(d0, d1) -> (0)>
#map1 = affine_map<(d0, d1) -> (0, 0)>
module attributes {stable_mosaic.version = 14 : i64} {
  func.func @_gather_body(%arg0: i32, %arg1: i32, %arg2: memref<16384xi32, #tpu.memory_space<hbm>>, %arg3: memref<32000x4096xf32, #tpu.memory_space<hbm>>, %arg4: memref<16384x4096xf32, #tpu.memory_space<hbm>>, %arg5: memref<512xi32, #tpu.memory_space<vmem>>, %arg6: memref<8x4096xf32, #tpu.memory_space<vmem>>, %arg7: memref<8x4096xf32, #tpu.memory_space<vmem>>, %arg8: memref<!tpu.dma_semaphore, #tpu.memory_space<semaphore_mem>>, %arg9: memref<!tpu.dma_semaphore, #tpu.memory_space<semaphore_mem>>, %arg10: memref<!tpu.dma_semaphore, #tpu.memory_space<semaphore_mem>>, %arg11: memref<!tpu.dma_semaphore, #tpu.memory_space<semaphore_mem>>) attributes {dimension_semantics = [#tpu.dimension_semantics<core_parallel>, #tpu.dimension_semantics<subcore_parallel>], iteration_bounds = array<i64: 2, 16>, scalar_prefetch = 0 : i64, scratch_operands = 7 : i64, tpu.core_type = #tpu.core_type<sc_vector_subcore>, window_params = [{transform_indices = #map}, {transform_indices = #map1}, {transform_indices = #map1}]} {
    %mul3A = arith.constant 2 : i32
    %mul3A_0 = arith.muli %arg1, %mul3A : i32
    %add3A = arith.addi %mul3A_0, %arg0 : i32
    %mul3A_1 = arith.constant 512 : i32
    %mul3A_2 = arith.muli %add3A, %mul3A_1 : i32
    "tpu.region"() ({
      %run_scoped3A = tpu.sem_alloc : memref<!tpu.dma_semaphore, #tpu.memory_space<semaphore_mem>>
      %dma_start3A_45 = tpu.memref_slice %arg2[%mul3A_2] : memref<16384xi32, #tpu.memory_space<hbm>> -> memref<512xi32, #tpu.memory_space<hbm>>
      %dma_start3A_46 = tpu.memref_slice %arg2[%mul3A_2] : memref<16384xi32, #tpu.memory_space<hbm>> -> memref<512xi32, #tpu.memory_space<hbm>>
      tpu.enqueue_dma source(%dma_start3A_46 : memref<512xi32, #tpu.memory_space<hbm>>) target(%arg5 : memref<512xi32, #tpu.memory_space<vmem>>) target_semaphore(%run_scoped3A : memref<!tpu.dma_semaphore, #tpu.memory_space<semaphore_mem>>)
      %dma_wait3A_47 = tpu.memref_slice %arg2[%mul3A_2] : memref<16384xi32, #tpu.memory_space<hbm>> -> memref<512xi32, #tpu.memory_space<hbm>>
      %dma_wait3A_48 = tpu.memref_slice %arg2[%mul3A_2] : memref<16384xi32, #tpu.memory_space<hbm>> -> memref<512xi32, #tpu.memory_space<hbm>>
      tpu.wait_dma2 semaphore(%run_scoped3A : memref<!tpu.dma_semaphore, #tpu.memory_space<semaphore_mem>>) src(%dma_wait3A_48 : memref<512xi32, #tpu.memory_space<hbm>>) dst(%arg5 : memref<512xi32, #tpu.memory_space<vmem>>)
      tpu.yield
    }) : () -> ()
    %dma_start3A = arith.constant 0 : i32
    %dma_start3A_3 = tpu.memref_slice %arg5[%dma_start3A] : memref<512xi32, #tpu.memory_space<vmem>> -> memref<8xi32, #tpu.memory_space<vmem>>
    %dma_start3A_4 = arith.constant 0 : i32
    %dma_start3A_5 = arith.constant 0 : i32
    %dma_start3A_6 = tpu.memref_slice %arg3[%dma_start3A_4, %dma_start3A_5] : memref<32000x4096xf32, #tpu.memory_space<hbm>> -> memref<32000x4096xf32, #tpu.memory_space<hbm>>
    tpu.enqueue_indirect_dma source(%dma_start3A_6 : memref<32000x4096xf32, #tpu.memory_space<hbm>>) target(%arg6 : memref<8x4096xf32, #tpu.memory_space<vmem>>) offsets(%dma_start3A_3 : memref<8xi32, #tpu.memory_space<vmem>>) semaphore(%arg8 : memref<!tpu.dma_semaphore, #tpu.memory_space<semaphore_mem>>)
    %dma_start3A_7 = arith.constant 8 : i32
    %dma_start3A_8 = tpu.memref_slice %arg5[%dma_start3A_7] : memref<512xi32, #tpu.memory_space<vmem>> -> memref<8xi32, #tpu.memory_space<vmem>>
    %dma_start3A_9 = arith.constant 0 : i32
    %dma_start3A_10 = arith.constant 0 : i32
    %dma_start3A_11 = tpu.memref_slice %arg3[%dma_start3A_9, %dma_start3A_10] : memref<32000x4096xf32, #tpu.memory_space<hbm>> -> memref<32000x4096xf32, #tpu.memory_space<hbm>>
    tpu.enqueue_indirect_dma source(%dma_start3A_11 : memref<32000x4096xf32, #tpu.memory_space<hbm>>) target(%arg7 : memref<8x4096xf32, #tpu.memory_space<vmem>>) offsets(%dma_start3A_8 : memref<8xi32, #tpu.memory_space<vmem>>) semaphore(%arg9 : memref<!tpu.dma_semaphore, #tpu.memory_space<semaphore_mem>>)
    %dma_wait3A = arith.constant 0 : i32
    %dma_wait3A_12 = tpu.memref_slice %arg5[%dma_wait3A] : memref<512xi32, #tpu.memory_space<vmem>> -> memref<8xi32, #tpu.memory_space<vmem>>
    %dma_wait3A_13 = arith.constant 0 : i32
    %dma_wait3A_14 = arith.constant 0 : i32
    %dma_wait3A_15 = tpu.memref_slice %arg3[%dma_wait3A_13, %dma_wait3A_14] : memref<32000x4096xf32, #tpu.memory_space<hbm>> -> memref<32000x4096xf32, #tpu.memory_space<hbm>>
    tpu.wait_indirect_dma semaphore(%arg8 : memref<!tpu.dma_semaphore, #tpu.memory_space<semaphore_mem>>) src(%dma_wait3A_15 : memref<32000x4096xf32, #tpu.memory_space<hbm>>) dst(%arg6 : memref<8x4096xf32, #tpu.memory_space<vmem>>)
    %add3A_16 = arith.constant 0 : i32
    %add3A_17 = arith.addi %mul3A_2, %add3A_16 : i32
    %dma_start3A_18 = arith.constant 0 : i32
    %dma_start3A_19 = tpu.memref_slice %arg4[%add3A_17, %dma_start3A_18] : memref<16384x4096xf32, #tpu.memory_space<hbm>> -> memref<8x4096xf32, #tpu.memory_space<hbm>>
    %dma_start3A_20 = arith.constant 0 : i32
    %dma_start3A_21 = tpu.memref_slice %arg4[%add3A_17, %dma_start3A_20] : memref<16384x4096xf32, #tpu.memory_space<hbm>> -> memref<8x4096xf32, #tpu.memory_space<hbm>>
    tpu.enqueue_dma source(%arg6 : memref<8x4096xf32, #tpu.memory_space<vmem>>) target(%dma_start3A_21 : memref<8x4096xf32, #tpu.memory_space<hbm>>) target_semaphore(%arg10 : memref<!tpu.dma_semaphore, #tpu.memory_space<semaphore_mem>>)
    %scan3A = arith.constant 0 : i32
    %scan3A_22 = arith.constant 31 : i32
    %scan3A_23 = arith.addi %scan3A, %scan3A_22 : i32
    %scan3A_24 = arith.constant 1 : i32
    scf.for %scan3A_45 = %scan3A to %scan3A_23 step %scan3A_24  : i32 {
      %mul3A_46 = arith.constant 2 : i32
      %mul3A_47 = arith.muli %scan3A_45, %mul3A_46 : i32
      %add3A_48 = arith.constant 1 : i32
      %add3A_49 = arith.addi %add3A_48, %mul3A_47 : i32
      %add3A_50 = arith.constant 0 : i32
      %add3A_51 = arith.addi %add3A_49, %add3A_50 : i32
      %dma_wait3A_52 = arith.constant 0 : i32
      %dma_wait3A_53 = tpu.memref_slice %arg4[%mul3A_2, %dma_wait3A_52] : memref<16384x4096xf32, #tpu.memory_space<hbm>> -> memref<8x4096xf32, #tpu.memory_space<hbm>>
      %dma_wait3A_54 = arith.constant 0 : i32
      %dma_wait3A_55 = tpu.memref_slice %arg4[%mul3A_2, %dma_wait3A_54] : memref<16384x4096xf32, #tpu.memory_space<hbm>> -> memref<8x4096xf32, #tpu.memory_space<hbm>>
      tpu.wait_dma2 semaphore(%arg10 : memref<!tpu.dma_semaphore, #tpu.memory_space<semaphore_mem>>) src(%arg6 : memref<8x4096xf32, #tpu.memory_space<vmem>>) dst(%dma_wait3A_55 : memref<8x4096xf32, #tpu.memory_space<hbm>>)
      %add3A_56 = arith.constant 1 : i32
      %add3A_57 = arith.addi %add3A_51, %add3A_56 : i32
      %mul3A_58 = arith.constant 8 : i32
      %mul3A_59 = arith.muli %add3A_57, %mul3A_58 : i32
      %dma_start3A_60 = tpu.memref_slice %arg5[%mul3A_59] : memref<512xi32, #tpu.memory_space<vmem>> -> memref<8xi32, #tpu.memory_space<vmem>>
      %dma_start3A_61 = arith.constant 0 : i32
      %dma_start3A_62 = arith.constant 0 : i32
      %dma_start3A_63 = tpu.memref_slice %arg3[%dma_start3A_61, %dma_start3A_62] : memref<32000x4096xf32, #tpu.memory_space<hbm>> -> memref<32000x4096xf32, #tpu.memory_space<hbm>>
      tpu.enqueue_indirect_dma source(%dma_start3A_63 : memref<32000x4096xf32, #tpu.memory_space<hbm>>) target(%arg6 : memref<8x4096xf32, #tpu.memory_space<vmem>>) offsets(%dma_start3A_60 : memref<8xi32, #tpu.memory_space<vmem>>) semaphore(%arg8 : memref<!tpu.dma_semaphore, #tpu.memory_space<semaphore_mem>>)
      %dma_wait3A_64 = arith.constant 0 : i32
      %dma_wait3A_65 = tpu.memref_slice %arg5[%dma_wait3A_64] : memref<512xi32, #tpu.memory_space<vmem>> -> memref<8xi32, #tpu.memory_space<vmem>>
      %dma_wait3A_66 = arith.constant 0 : i32
      %dma_wait3A_67 = arith.constant 0 : i32
      %dma_wait3A_68 = tpu.memref_slice %arg3[%dma_wait3A_66, %dma_wait3A_67] : memref<32000x4096xf32, #tpu.memory_space<hbm>> -> memref<32000x4096xf32, #tpu.memory_space<hbm>>
      tpu.wait_indirect_dma semaphore(%arg9 : memref<!tpu.dma_semaphore, #tpu.memory_space<semaphore_mem>>) src(%dma_wait3A_68 : memref<32000x4096xf32, #tpu.memory_space<hbm>>) dst(%arg7 : memref<8x4096xf32, #tpu.memory_space<vmem>>)
      %mul3A_69 = arith.constant 8 : i32
      %mul3A_70 = arith.muli %add3A_51, %mul3A_69 : i32
      %add3A_71 = arith.addi %mul3A_2, %mul3A_70 : i32
      %dma_start3A_72 = arith.constant 0 : i32
      %dma_start3A_73 = tpu.memref_slice %arg4[%add3A_71, %dma_start3A_72] : memref<16384x4096xf32, #tpu.memory_space<hbm>> -> memref<8x4096xf32, #tpu.memory_space<hbm>>
      %dma_start3A_74 = arith.constant 0 : i32
      %dma_start3A_75 = tpu.memref_slice %arg4[%add3A_71, %dma_start3A_74] : memref<16384x4096xf32, #tpu.memory_space<hbm>> -> memref<8x4096xf32, #tpu.memory_space<hbm>>
      tpu.enqueue_dma source(%arg7 : memref<8x4096xf32, #tpu.memory_space<vmem>>) target(%dma_start3A_75 : memref<8x4096xf32, #tpu.memory_space<hbm>>) target_semaphore(%arg11 : memref<!tpu.dma_semaphore, #tpu.memory_space<semaphore_mem>>)
      %add3A_76 = arith.constant 1 : i32
      %add3A_77 = arith.addi %add3A_49, %add3A_76 : i32
      %dma_wait3A_78 = arith.constant 0 : i32
      %dma_wait3A_79 = tpu.memref_slice %arg4[%mul3A_2, %dma_wait3A_78] : memref<16384x4096xf32, #tpu.memory_space<hbm>> -> memref<8x4096xf32, #tpu.memory_space<hbm>>
      %dma_wait3A_80 = arith.constant 0 : i32
      %dma_wait3A_81 = tpu.memref_slice %arg4[%mul3A_2, %dma_wait3A_80] : memref<16384x4096xf32, #tpu.memory_space<hbm>> -> memref<8x4096xf32, #tpu.memory_space<hbm>>
      tpu.wait_dma2 semaphore(%arg11 : memref<!tpu.dma_semaphore, #tpu.memory_space<semaphore_mem>>) src(%arg7 : memref<8x4096xf32, #tpu.memory_space<vmem>>) dst(%dma_wait3A_81 : memref<8x4096xf32, #tpu.memory_space<hbm>>)
      %add3A_82 = arith.constant 1 : i32
      %add3A_83 = arith.addi %add3A_77, %add3A_82 : i32
      %mul3A_84 = arith.constant 8 : i32
      %mul3A_85 = arith.muli %add3A_83, %mul3A_84 : i32
      %dma_start3A_86 = tpu.memref_slice %arg5[%mul3A_85] : memref<512xi32, #tpu.memory_space<vmem>> -> memref<8xi32, #tpu.memory_space<vmem>>
      %dma_start3A_87 = arith.constant 0 : i32
      %dma_start3A_88 = arith.constant 0 : i32
      %dma_start3A_89 = tpu.memref_slice %arg3[%dma_start3A_87, %dma_start3A_88] : memref<32000x4096xf32, #tpu.memory_space<hbm>> -> memref<32000x4096xf32, #tpu.memory_space<hbm>>
      tpu.enqueue_indirect_dma source(%dma_start3A_89 : memref<32000x4096xf32, #tpu.memory_space<hbm>>) target(%arg7 : memref<8x4096xf32, #tpu.memory_space<vmem>>) offsets(%dma_start3A_86 : memref<8xi32, #tpu.memory_space<vmem>>) semaphore(%arg9 : memref<!tpu.dma_semaphore, #tpu.memory_space<semaphore_mem>>)
      %dma_wait3A_90 = arith.constant 0 : i32
      %dma_wait3A_91 = tpu.memref_slice %arg5[%dma_wait3A_90] : memref<512xi32, #tpu.memory_space<vmem>> -> memref<8xi32, #tpu.memory_space<vmem>>
      %dma_wait3A_92 = arith.constant 0 : i32
      %dma_wait3A_93 = arith.constant 0 : i32
      %dma_wait3A_94 = tpu.memref_slice %arg3[%dma_wait3A_92, %dma_wait3A_93] : memref<32000x4096xf32, #tpu.memory_space<hbm>> -> memref<32000x4096xf32, #tpu.memory_space<hbm>>
      tpu.wait_indirect_dma semaphore(%arg8 : memref<!tpu.dma_semaphore, #tpu.memory_space<semaphore_mem>>) src(%dma_wait3A_94 : memref<32000x4096xf32, #tpu.memory_space<hbm>>) dst(%arg6 : memref<8x4096xf32, #tpu.memory_space<vmem>>)
      %mul3A_95 = arith.constant 8 : i32
      %mul3A_96 = arith.muli %add3A_77, %mul3A_95 : i32
      %add3A_97 = arith.addi %mul3A_2, %mul3A_96 : i32
      %dma_start3A_98 = arith.constant 0 : i32
      %dma_start3A_99 = tpu.memref_slice %arg4[%add3A_97, %dma_start3A_98] : memref<16384x4096xf32, #tpu.memory_space<hbm>> -> memref<8x4096xf32, #tpu.memory_space<hbm>>
      %dma_start3A_100 = arith.constant 0 : i32
      %dma_start3A_101 = tpu.memref_slice %arg4[%add3A_97, %dma_start3A_100] : memref<16384x4096xf32, #tpu.memory_space<hbm>> -> memref<8x4096xf32, #tpu.memory_space<hbm>>
      tpu.enqueue_dma source(%arg6 : memref<8x4096xf32, #tpu.memory_space<vmem>>) target(%dma_start3A_101 : memref<8x4096xf32, #tpu.memory_space<hbm>>) target_semaphore(%arg10 : memref<!tpu.dma_semaphore, #tpu.memory_space<semaphore_mem>>)
    }
    %scan3A_25 = arith.constant 31 : i32
    %dma_wait3A_26 = arith.constant 0 : i32
    %dma_wait3A_27 = tpu.memref_slice %arg5[%dma_wait3A_26] : memref<512xi32, #tpu.memory_space<vmem>> -> memref<8xi32, #tpu.memory_space<vmem>>
    %dma_wait3A_28 = arith.constant 0 : i32
    %dma_wait3A_29 = arith.constant 0 : i32
    %dma_wait3A_30 = tpu.memref_slice %arg3[%dma_wait3A_28, %dma_wait3A_29] : memref<32000x4096xf32, #tpu.memory_space<hbm>> -> memref<32000x4096xf32, #tpu.memory_space<hbm>>
    tpu.wait_indirect_dma semaphore(%arg9 : memref<!tpu.dma_semaphore, #tpu.memory_space<semaphore_mem>>) src(%dma_wait3A_30 : memref<32000x4096xf32, #tpu.memory_space<hbm>>) dst(%arg7 : memref<8x4096xf32, #tpu.memory_space<vmem>>)
    %add3A_31 = arith.constant 504 : i32
    %add3A_32 = arith.addi %mul3A_2, %add3A_31 : i32
    %dma_start3A_33 = arith.constant 0 : i32
    %dma_start3A_34 = tpu.memref_slice %arg4[%add3A_32, %dma_start3A_33] : memref<16384x4096xf32, #tpu.memory_space<hbm>> -> memref<8x4096xf32, #tpu.memory_space<hbm>>
    %dma_start3A_35 = arith.constant 0 : i32
    %dma_start3A_36 = tpu.memref_slice %arg4[%add3A_32, %dma_start3A_35] : memref<16384x4096xf32, #tpu.memory_space<hbm>> -> memref<8x4096xf32, #tpu.memory_space<hbm>>
    tpu.enqueue_dma source(%arg7 : memref<8x4096xf32, #tpu.memory_space<vmem>>) target(%dma_start3A_36 : memref<8x4096xf32, #tpu.memory_space<hbm>>) target_semaphore(%arg11 : memref<!tpu.dma_semaphore, #tpu.memory_space<semaphore_mem>>)
    %dma_wait3A_37 = arith.constant 0 : i32
    %dma_wait3A_38 = tpu.memref_slice %arg4[%mul3A_2, %dma_wait3A_37] : memref<16384x4096xf32, #tpu.memory_space<hbm>> -> memref<8x4096xf32, #tpu.memory_space<hbm>>
    %dma_wait3A_39 = arith.constant 0 : i32
    %dma_wait3A_40 = tpu.memref_slice %arg4[%mul3A_2, %dma_wait3A_39] : memref<16384x4096xf32, #tpu.memory_space<hbm>> -> memref<8x4096xf32, #tpu.memory_space<hbm>>
    tpu.wait_dma2 semaphore(%arg10 : memref<!tpu.dma_semaphore, #tpu.memory_space<semaphore_mem>>) src(%arg6 : memref<8x4096xf32, #tpu.memory_space<vmem>>) dst(%dma_wait3A_40 : memref<8x4096xf32, #tpu.memory_space<hbm>>)
    %dma_wait3A_41 = arith.constant 0 : i32
    %dma_wait3A_42 = tpu.memref_slice %arg4[%mul3A_2, %dma_wait3A_41] : memref<16384x4096xf32, #tpu.memory_space<hbm>> -> memref<8x4096xf32, #tpu.memory_space<hbm>>
    %dma_wait3A_43 = arith.constant 0 : i32
    %dma_wait3A_44 = tpu.memref_slice %arg4[%mul3A_2, %dma_wait3A_43] : memref<16384x4096xf32, #tpu.memory_space<hbm>> -> memref<8x4096xf32, #tpu.memory_space<hbm>>
    tpu.wait_dma2 semaphore(%arg11 : memref<!tpu.dma_semaphore, #tpu.memory_space<semaphore_mem>>) src(%arg7 : memref<8x4096xf32, #tpu.memory_space<vmem>>) dst(%dma_wait3A_44 : memref<8x4096xf32, #tpu.memory_space<hbm>>)
    return
  }
}

</mosaic_0001>

<sc_bundles>
// kernel: _embed_gather.3.cloned.1.call-start
scs
__scs_entry_jumppad:
0x0: {  	(pc) =	sbr.rel $0x88, $3  }
0x1: {  	(tag) =	ssettag $0x0;
	lr =	simm.s32 $0x1  }
0x2: {  	[smem:$0x3F9F] =	sst lr;
	_ =	strace $0xD0000000  }
0x3: {  	_ = 	snop  }
0x4: {  	_ = 	snop  }
0x5: {  	_ = 	snop  }
0x6: {  	_ = 	snop  }
0x7: {  	_ = 	snop  }
__scs_overlays_trampoline_lowered:
0x8: {  	[smem:$0x3FAE] =	sst s0  }
0x9: {  	[smem:$0x3FAF] =	sst s1  }
0xa: {  	[smem:$0x3FB0] =	sst s2  }
0xb: {  	[smem:$0x3FB1] =	sst s3  }
0xc: {  	[smem:$0x3FB2] =	sst s4  }
0xd: {  	[smem:$0x3FB3] =	sst s5  }
0xe: {  	[smem:$0x3FB4] =	sst s6  }
0xf: {  	[smem:$0x3FB5] =	sst s7  }
0x10: {  	[smem:$0x3FB6] =	sst s8  }
0x11: {  	[smem:$0x3FB7] =	sst s9;
	s0 =	simm.s32 @!p0 $0x0  }
0x12: {  	s1 =	sld [smem:$0x3F9D];
	s0 =	simm.s32 @p0 $0x1  }
0x13: {  	[smem:$0x3FB8] =	sst s0;
	s0 =	simm.s32 @!p1 $0x0  }
0x14: {  	s2 =	sld [smem:$0x3F9C];
	s0 =	simm.s32 @p1 $0x1  }
0x15: {  	[smem:$0x3FB9] =	sst s0;
	s0 =	simm.s32 @!p2 $0x0  }
0x16: {  	s3 =	sld [smem:$0x3FDB];
	s0 =	simm.s32 @p2 $0x1  }
0x17: {  	s4 =	simm.s32 $0x1BF5;
	[smem:$0x3FBB] =	sst s0  }
0x18: {  	s0 =	sld [smem:$0x3F9E];
	_ =	swait.ge [sflag:s4], $0x0  }
0x19: {  	s7 =	sld [smem:$0x3F9F]  }
0x1a: {  	s8 =	sadd.s32 $0xFFFFE003, lr  }
0x1b: {  	s9 =	sadd.s32 $0xFFFFFEF7, lr;
	s5 =	simm.s32 $0xFFFFFFFF;
	p2 =	slt.u32 s8, $0xFFFFF086  }
0x1c: {  	p1 =	slt.u32 s9, $0xF7A;
	s5 =	simm.s32 @!p2 $0x0  }
0x1d: {  	s5 =	simm.s32 @p1 $0x1;
	p0 =	seq.s32 s7, s2  }
0x1e: {  	s7 =	smul.u32 @!p0 $0xF7A, s2;
	p2 =	seq.s32 @!p0 s5, $0x0  }
0x1f: {  	s9 =	smul.u32 $0xF7A, s1;
	s8 =	simm.s32 @!p0 $0x1BF5;
	p2 =	por !p2, p0  }
0x20: {  	[sflag:s8] =	ssyncset.s32 @!p0 $0xFFFFF086;
	s6 =	sadd.s32 @!p0 s3, s7;
	s7 =	simm.s32 @!p0 $0x108  }
0x21: {  	s3 =	sadd.s32 s3, s9;
	s6 =	sadd.s32 @!p0 $0x88, s6;
	s7 =	simm.s32 @p2 $0x1082  }
0x22: {  	[simem:s7], [sflag:s8] =	dma.local @!p0 [hbm:s6], $0xF7A  }
0x23: {  	s9 =	sor.u32 $0xD0000000, s2;
	s6 =	simm.s32 $0x108;
	_ =	swait.ge @!p0 [sflag:s8], $0x0  }
0x24: {  	s3 =	sadd.s32 $0x88, s3;
	s6 =	simm.s32 @!p1 $0x1082;
	[sflag:s4] =	ssyncset.s32 $0xFFFFF086  }
0x25: {  	[simem:s6], [sflag:s4] =	dma.local [hbm:s3], $0xF7A  }
0x26: {  	[smem:$0x3F9F] =	sst s1;
	(tag) =	ssettag s2;
	_ =	strace s9  }
0x27: {  	s1 =	sld [smem:$0x3FAF]  }
0x28: {  	s2 =	sld [smem:$0x3FB0]  }
0x29: {  	s4 =	sld [smem:$0x3FB2]  }
0x2a: {  	p0 =	seq.s32 s5, $0x0;
	s5 =	sld [smem:$0x3FB3]  }
0x2b: {  	s6 =	sld [smem:$0x3FB4]  }
0x2c: {  	s7 =	sld [smem:$0x3FB5]  }
0x2d: {  	s3 =	simm.s32 $0x108;
	s8 =	sld [smem:$0x3FB6]  }
0x2e: {  	s3 =	simm.s32 @!p0 $0x1082;
	s9 =	sld [smem:$0x3FB7]  }
0x2f: {  	lr =	sadd.s32 s0, s3;
	s0 =	sld [smem:$0x3FAE]  }
0x30: {  	s3 =	sld [smem:$0x3FB1]  }
0x31: {  	[smem:$0x3FBA] =	sst s10  }
0x32: {  	s10 =	sld [smem:$0x3FB8];
	_ =	sdelay $0x3  }
0x33: {  	p0 =	seq.s32 s10, $0x1;
	s10 =	sld [smem:$0x3FBA];
	_ =	sdelay $0x3  }
0x34: {  	[smem:$0x3FBA] =	sst s10  }
0x35: {  	s10 =	sld [smem:$0x3FB9];
	_ =	sdelay $0x3  }
0x36: {  	p1 =	seq.s32 s10, $0x1;
	s10 =	sld [smem:$0x3FBA];
	_ =	sdelay $0x3  }
0x37: {  	[smem:$0x3FBA] =	sst s10  }
0x38: {  	s10 =	sld [smem:$0x3FBB]  }
0x39: {  	_ = 	snop;
	(pc) =	sbr.ind lr, $3  }
0x3a: {  	_ = 	snop  }
0x3b: {  	_ = 	snop  }
0x3c: {  	p2 =	seq.s32 s10, $0x1;
	s10 =	sld [smem:$0x3FBA]  }
0x3d: {  	_ =	shalt  }
0x3e: {  	_ =	shalt  }
0x3f: {  	_ =	shalt  }
0x40: {  	_ =	shalt  }
0x41: {  	_ =	shalt  }
0x42: {  	_ =	shalt  }
0x43: {  	_ =	shalt  }
0x44: {  	_ =	shalt  }
0x45: {  	_ =	shalt  }
0x46: {  	_ =	shalt  }
0x47: {  	_ =	shalt  }
0x48: {  	_ =	shalt  }
0x49: {  	_ =	shalt  }
0x4a: {  	_ =	shalt  }
0x4b: {  	_ =	shalt  }
0x4c: {  	_ =	shalt  }
0x4d: {  	_ =	shalt  }
0x4e: {  	_ =	shalt  }
0x4f: {  	_ =	shalt  }
0x50: {  	_ =	shalt  }
0x51: {  	_ =	shalt  }
0x52: {  	_ =	shalt  }
0x53: {  	_ =	shalt  }
0x54: {  	_ =	shalt  }
0x55: {  	_ =	shalt  }
0x56: {  	_ =	shalt  }
0x57: {  	_ =	shalt  }
0x58: {  	_ =	shalt  }
0x59: {  	_ =	shalt  }
0x5a: {  	_ =	shalt  }
0x5b: {  	_ =	shalt  }
0x5c: {  	_ =	shalt  }
0x5d: {  	_ =	shalt  }
0x5e: {  	_ =	shalt  }
0x5f: {  	_ =	shalt  }
0x60: {  	_ =	shalt  }
0x61: {  	_ =	shalt  }
0x62: {  	_ =	shalt  }
0x63: {  	_ =	shalt  }
0x64: {  	_ =	shalt  }
0x65: {  	_ =	shalt  }
0x66: {  	_ =	shalt  }
0x67: {  	_ =	shalt  }
0x68: {  	_ =	shalt  }
0x69: {  	_ =	shalt  }
0x6a: {  	_ =	shalt  }
0x6b: {  	_ =	shalt  }
0x6c: {  	_ =	shalt  }
0x6d: {  	_ =	shalt  }
0x6e: {  	_ =	shalt  }
0x6f: {  	_ =	shalt  }
0x70: {  	_ =	shalt  }
0x71: {  	_ =	shalt  }
0x72: {  	_ =	shalt  }
0x73: {  	_ =	shalt  }
0x74: {  	_ =	shalt  }
0x75: {  	_ =	shalt  }
0x76: {  	_ =	shalt  }
0x77: {  	_ =	shalt  }
0x78: {  	_ =	shalt  }
0x79: {  	_ =	shalt  }
0x7a: {  	_ =	shalt  }
0x7b: {  	_ =	shalt  }
0x7c: {  	_ =	shalt  }
0x7d: {  	_ =	shalt  }
0x7e: {  	_ =	shalt  }
0x7f: {  	_ =	shalt  }
0x80: {  	_ =	shalt  }
0x81: {  	_ =	shalt  }
0x82: {  	_ =	shalt  }
0x83: {  	_ =	shalt  }
0x84: {  	_ =	shalt  }
0x85: {  	_ =	shalt  }
0x86: {  	_ =	shalt  }
0x87: {  	_ =	shalt  }
.Lfunc_end0:
.L_simem_size_0:
called_computation.1_lowered:
.L_overlay_start_0:
0x88: {  	s2 =	sld [smem:$0x3FD9]  }
0x89: {  	s3 =	sld [smem:$0x3FFE];
	_ =	sdelay $0x1  }
0x8a: {  	s1 =	srdreg.scid  }
0x8b: {  	s0 =	sand.u32 $0x1, s1  }
0x8c: {  	s17 =	sshll.u32 s0, $0xA;
	s2 =	sadd.s32 s3, s2  }
0x8d: {  	s2 =	sadd.s32 s2, s17  }
0x8e: {  	[smem:$0x3FC6] =	sst s2  }
0x8f: {  	_ = 	snop  }
0x90: {  	s2 =	sld [smem:$0x3FC9];
	(tm) =	ssettm $0x1  }
0x91: {  	s18 =	sld [smem:$0x3FFB];
	_ =	sdelay $0x3  }
0x92: {  	_ =	strace s18  }
0x93: {  	s3 =	sld [smem:$0x3FFC];
	_ =	sdelay $0x3  }
0x94: {  	_ =	strace s3  }
0x95: {  	s3 =	sld [smem:$0x3FFD];
	_ =	sdelay $0x3  }
0x96: {  	_ =	strace s3  }
0x97: {  	_ =	strace $0x8FFFFFFF  }
0x98: {  	s19 =	sld [smem:$0x3FDB];
	_ =	sdelay $0x1  }
0x99: {  	s4 =	simm.s32 $_scs_section_size  }
0x9a: {  	s5 =	simm.s32 $_size__tile_overlayer_lowered;
	s6 =	simm.s32 $_tile_overlayer_lowered  }
0x9b: {  	s22 =	simm.s32 $0x1BFF;
	s21 =	sshll.u32 s6, $0x1;
	s3 =	sadd.s32 s4, s19  }
0x9c: {  	s7 =	simm.s32 $0x0;
	s20 =	sshll.u32 s5, $0x1;
	s5 =	sadd.s32 s21, s3  }
0x9d: {  	[timem:s7], [sflag:s22] =	dma.local [hbm:s5], s20  }
0x9e: {  	_ =	swait.ge [sflag:s22], s20  }
0x9f: {  	s4 =	ssub.s32 $0x0, s20;
	[sflag:s22] =	ssyncset.done $0x0  }
0xa0: {  	[sflag:s22] =	ssyncadd.s32 s4;
	_ =	sdelay $0x1  }
0xa1: {  	s23 =	simm.s32 $0x1B8B  }
0xa2: {  	_ =	swait.ge [sflag:s23], $0x1  }
0xa3: {  	[sflag:s23] =	ssyncset.done $0x0  }
0xa4: {  	s25 =	simm.s32 $0x1B8E;
	s24 =	sld [smem:$0x3FFE];
	[sflag:s23] =	ssyncadd.s32 $0xFFFFFFFF  }
0xa5: {  	s26 =	simm.s32 $execute0_lowered;
	[smem:$0x3FD2] =	sst s25  }
0xa6: {  	s5 =	sshll.u32 s26, $0x1;
	_ =	strace $0x80000049;
	[dreg:$0x1] =	wrdreg $0xFFFFFFFF  }
0xa7: {  	s28 =	simm.s32 $_size_execute0_lowered;
	s3 =	sadd.s32 s3, s5;
	[dreg:$0x0] =	wrdreg $0x0  }
0xa8: {  	s5 =	sshll.u32 s28, $0x1;
	[dreg:$0x2] =	wrdreg s3  }
0xa9: {  	[dreg:$0x3] =	wrdreg s5  }
0xaa: {  	[dreg:$0x4] =	wrdreg $0xC0  }
0xab: {  	_ =	task [dreg:s7], $0x5FFFF  }
0xac: {  	[dreg:$0x1] =	wrdreg $0xFFFFFFFF  }
0xad: {  	[dreg:$0x0] =	wrdreg $0x60  }
0xae: {  	[dreg:$0x2] =	wrdreg s2  }
0xaf: {  	[dreg:$0x3] =	wrdreg s24  }
0xb0: {  	[dreg:$0x4] =	wrdreg $0x9  }
0xb1: {  	_ =	task.clear_ibuf [dreg:s7], $0x5FFFF;
	_ =	strace $0x90000049  }
0xb2: {  	s29 =	simm.s32 $0x9;
	_ =	strace $0x8000004B  }
0xb3: {  	_ =	swait.ge [sflag:s29], $0x1  }
0xb4: {  	[sflag:s29] =	ssyncadd.s32 $0xFFFFFFFF  }
0xb5: {  	_ =	strace $0x9000004B  }
0xb6: {  	_ =	sfence  }
0xb7: {  	s30 =	sld [smem:$0x0];
	_ =	sdelay $0x2  }
0xb8: {  	s31 =	sshll.u32 s1, $0xD;
	s1 =	sshrl.u32 s1, $0x2  }
0xb9: {  	s3 =	sand.u32 $0x4000, s31;
	s1 =	sadd.s32 s1, s30  }
0xba: {  	s0 =	sor.u32 s3, s0;
	s1 =	sshll.u32 s1, $0x11  }
0xbb: {  	s0 =	sor.u32 s1, s0  }
0xbc: {  	s0 =	sadd.s32 $0x8F2B, s0  }
0xbd: {  	[sflag:s0] =	ssyncadd.remote.s32 $0x1  }
0xbe: {  	_ =	sfence.sel $0xFFFF  }
0xbf: {  	[dreg:$0x0] =	wrdreg $0xFFFFFFFF;
	(pc) =	sbr.abs _section_cstart, $3  }
0xc0: {  	[dreg:$0x1] =	wrdreg $0xFFFFFFFF  }
0xc1: {  	_ =	task.clear_ibuf [dreg:s7], $0x2FFFF;
	_ =	strace $0x9FFFFFFF  }
0xc2: {  	(tm) =	ssettm $0x7FFFFFFF  }
0xc3: {  	_ =	shalt  }
tec
execute0_lowered:
.L_overlay_start_1:
0x0: {  	(tag) =	ssettag $0x1  }
0x1: {  	s4 =	rddreg [dreg:$0x0]  }
0x2: {  	s5 =	rddreg [dreg:$0x1]  }
0x3: {  	s0 =	rddreg [dreg:$0x2];
	s1 =	simm.s32 $0x0  }
0x4: {  	s6 =	srdreg.scid;
	s2 =	stileid.u32;
	s11 =	simm.s32 $0x200  }
0x5: {  	s12 =	simm.s32 $0x8200;
	s13 =	simm.s32 $0x1;
	s14 =	simm.s32 $0x3  }
0x6: {  	s15 =	simm.s32 $0x2;
	s16 =	simm.s32 $0x4;
	s17 =	simm.s32 $0x0  }
0x7: {  	[smem:$0x7FF] =	sst s1;
	s3 =	sadd.s32 $0x800, s5;
	s6 =	sand.u32 $0x1, s6  }
0x8: {  	s8 =	sshll.u32 s2, $0xA;
	s5 =	sadd.s32 $0xFA0800, s5;
	s30 =	sshll.u32 s2, $0x13  }
0x9: {  	_ =	strace $0x8000004A;
	s7 =	ssub.s32 $0x2, s6;
	s9 =	sshll.u32 s6, $0x9  }
0xa: {  	s6 =	sshll.u32 s6, $0x12;
	s10 =	sshrl.u32 s7, $0x1;
	s8 =	sor.u32 s9, s8  }
0xb: {  	s7 =	ssub.s32 s7, s10;
	s9 =	sshrl.u32 s8, $0x3;
	s8 =	sshll.u32 s8, $0x9  }
0xc: {  	s10 =	sadd.s32 s30, s5;
	s4 =	sadd.s32 s4, s9;
	s5 =	sadd.s32 s5, s8  }
0xd: {  	s31 =	sadd.s32 s6, s10;
	s7 =	smax.u32 s7, $0x1;
	s9 =	simm.s32 $0x5  }
0xe: {  	s10 =	simm.s32 $0x8;
	s6 =	sadd.s32 $0x3F000, s5;
	s8 =	sadd.s32 $0x1000, s31  }
.LBB2_1:
0xf: {  	[tilespmem:s1], [sflag:$0x5] =	stream.linear.gather [hbm4b:s4+s1], $0x200, $0x38;
	[tilespmem:$0x10200] =	vst v63  }
0x10: {  	_ =	swait.ge [sflag:s9], $0x200  }
0x11: {  	[sflag:s9] =	ssyncset.done $0x0  }
0x12: {  	[sflag:s9] =	ssyncadd.s32 $0xFFFFFE00  }
0x13: {  	[tilespmem:s11], [sflag:$0x1] =	stream.indirect.gather [hbm4b:s3+s10], $0x1000, s1, s10, $0xb8;
	[tilespmem:$0x10200] =	vst v63  }
0x14: {  	_ = 	snop  }
0x15: {  	[tilespmem:s12], [sflag:$0x2] =	stream.indirect.gather [hbm4b:s3+s10], $0x1000, s10, s10, $0xb8;
	[tilespmem:$0x10200] =	vst v63  }
0x16: {  	_ =	swait.ge [sflag:s13], $0x8000  }
0x17: {  	[sflag:s13] =	ssyncset.done $0x0  }
0x18: {  	[sflag:s13] =	ssyncadd.s32 $0xFFFF8000  }
0x19: {  	[hbm4b:s5+s1] =	stream.linear.scatter [tilespmem:s11], [sflag:$0x3], $0x8000, $0x38;
	[tilespmem:$0x10200] =	vst v63  }
0x1a: {  	_ =	swait.ge [sflag:s14], $0x8000  }
0x1b: {  	[sflag:s14] =	ssyncset.done $0x0  }
0x1c: {  	s18 =	simm.s32 $0x10;
	[sflag:s14] =	ssyncadd.s32 $0xFFFF8000  }
0x1d: {  	[tilespmem:s11], [sflag:$0x1] =	stream.indirect.gather [hbm4b:s3+s10], $0x1000, s18, s10, $0xb8;
	[tilespmem:$0x10200] =	vst v63  }
0x1e: {  	_ =	swait.ge [sflag:s15], $0x8000  }
0x1f: {  	[sflag:s15] =	ssyncset.done $0x0  }
0x20: {  	[sflag:s15] =	ssyncadd.s32 $0xFFFF8000  }
0x21: {  	[hbm4b:s8+s1] =	stream.linear.scatter [tilespmem:s12], [sflag:$0x4], $0x8000, $0x38;
	[tilespmem:$0x10200] =	vst v63  }
0x22: {  	_ =	swait.ge [sflag:s16], $0x8000  }
0x23: {  	[sflag:s16] =	ssyncset.done $0x0  }
0x24: {  	s31 =	simm.s32 $0x18;
	[sflag:s16] =	ssyncadd.s32 $0xFFFF8000  }
0x25: {  	[tilespmem:s12], [sflag:$0x2] =	stream.indirect.gather [hbm4b:s3+s10], $0x1000, s31, s10, $0xb8;
	[tilespmem:$0x10200] =	vst v63  }
0x26: {  	_ =	swait.ge [sflag:s13], $0x8000  }
0x27: {  	s20 =	sadd.s32 $0x1000, s8;
	[sflag:s13] =	ssyncset.done $0x0  }
0x28: {  	s19 =	sadd.s32 $0x2000, s8;
	s18 =	simm.s32 $0x40;
	[sflag:s13] =	ssyncadd.s32 $0xFFFF8000  }
.LBB2_2:
0x29: {  	[hbm4b:s20+s1] =	stream.linear.scatter [tilespmem:s11], [sflag:$0x3], $0x8000, $0x38;
	[tilespmem:$0x10200] =	vst v63  }
0x2a: {  	s20 =	smov.u32 s18  }
0x2b: {  	p0 =	sne.s32 s18, $0x780;
	s18 =	sadd.s32 $0x40, s18;
	_ =	swait.ge [sflag:s14], $0x8000  }
0x2c: {  	s20 =	sshra.s32 s20, $0x2;
	[sflag:s14] =	ssyncset.done $0x0  }
0x2d: {  	s21 =	sadd.s32 $0x10, s20;
	[sflag:s14] =	ssyncadd.s32 $0xFFFF8000  }
0x2e: {  	[tilespmem:s11], [sflag:$0x1] =	stream.indirect.gather [hbm4b:s3+s10], $0x1000, s21, s10, $0xb8;
	[tilespmem:$0x10200] =	vst v63  }
0x2f: {  	_ =	swait.ge [sflag:s15], $0x8000  }
0x30: {  	[sflag:s15] =	ssyncset.done $0x0  }
0x31: {  	[sflag:s15] =	ssyncadd.s32 $0xFFFF8000  }
0x32: {  	[hbm4b:s19+s1] =	stream.linear.scatter [tilespmem:s12], [sflag:$0x4], $0x8000, $0x38;
	[tilespmem:$0x10200] =	vst v63  }
0x33: {  	_ =	swait.ge [sflag:s16], $0x8000  }
0x34: {  	[sflag:s16] =	ssyncset.done $0x0  }
.Ltmp0:
0x35: {  	s20 =	sadd.s32 $0x18, s20;
	[sflag:s16] =	ssyncadd.s32 $0xFFFF8000;
	(pc) =	sbr.rel @p0 .LBB2_2-.Ltmp0, $4  }
0x36: {  	[tilespmem:s12], [sflag:$0x2] =	stream.indirect.gather [hbm4b:s3+s10], $0x1000, s20, s10, $0xb8;
	[tilespmem:$0x10200] =	vst v63  }
0x37: {  	_ =	swait.ge [sflag:s13], $0x8000  }
0x38: {  	[sflag:s13] =	ssyncset.done $0x0  }
0x39: {  	s20 =	sadd.s32 $0x1000, s19;
	s19 =	sadd.s32 $0x2000, s19;
	[sflag:s13] =	ssyncadd.s32 $0xFFFF8000  }
0x3a: {  	[hbm4b:s20+s1] =	stream.linear.scatter [tilespmem:s11], [sflag:$0x3], $0x8000, $0x38;
	[tilespmem:$0x10200] =	vst v63  }
0x3b: {  	_ =	swait.ge [sflag:s15], $0x8000  }
0x3c: {  	[sflag:s15] =	ssyncset.done $0x0  }
0x3d: {  	s17 =	sadd.s32 $0x1, s17;
	[sflag:s15] =	ssyncadd.s32 $0xFFFF8000  }
0x3e: {  	[hbm4b:s6+s1] =	stream.linear.scatter [tilespmem:s12], [sflag:$0x4], $0x8000, $0x38;
	[tilespmem:$0x10200] =	vst v63  }
0x3f: {  	p0 =	sne.s32 s17, s7;
	_ =	swait.ge [sflag:s14], $0x8000  }
.Ltmp1:
0x40: {  	[sflag:s14] =	ssyncset.done $0x0;
	(pc) =	sbr.rel @p0 .LBB2_1-.Ltmp1, $4  }
0x41: {  	[sflag:s14] =	ssyncadd.s32 $0xFFFF8000  }
0x42: {  	_ =	swait.ge [sflag:s16], $0x8000  }
0x43: {  	[sflag:s16] =	ssyncset.done $0x0  }
0x44: {  	[sflag:s16] =	ssyncadd.s32 $0xFFFF8000  }
0x45: {  	_ =	sfence.sel $0x180000  }
0x46: {  	[bflag:$0x0] =	sbarrier.arrive $0xFFFF  }
0x47: {  	p0 =	sne.s32 s2, $0x0;
	_ =	strace $0x9000004A  }
0x48: {  	s0 =	sadd.s32 @!p0 $0x100000, s0;
	[bflag:$0x2] =	sbarrier.arrive $0xFFFF  }
0x49: {  	[sflag:s0] =	ssyncadd.tile.s32 @!p0 $0x1;
	_ =	shalt  }
.Lfunc_end2:
_tile_overlayer_lowered:
.L_overlay_start_2:
0x4a: {  	(tag) =	ssettag $0x2  }
0x4b: {  	s0 =	rddreg [dreg:$0x0];
	s2 =	stileid.u32  }
0x4c: {  	s1 =	rddreg [dreg:$0x1];
	p0 =	sne.s32 s2, $0x0  }
0x4d: {  	s3 =	rddreg [dreg:$0x2];
	[bflag:$0x3] =	sbarrier.arrive $0xFFFF;
	s2 =	simm.s32 @!p0 $0x1C05  }
0x4e: {  	[timem:s3], [sflag:s2] =	dma.local @!p0 [hbm:s0], s1  }
0x4f: {  	s0 =	simm.s32 @!p0 $0x5  }
0x50: {  	_ =	swait.ge @!p0 [sflag:s0], s1  }
0x51: {  	s1 =	ssub.s32 @!p0 $0x0, s1;
	[sflag:s0] =	ssyncset.done @!p0 $0x0  }
0x52: {  	[sflag:s0] =	ssyncadd.s32 @!p0 s1  }
0x53: {  	[bflag:$0x3] =	sbarrier.arrive $0xFFFF  }
0x54: {  	_ =	shalt  }

// kernel: sparse-core-data-format-call.cloned.1.call-start
scs
called_computation_lowered:
.L_overlay_start_0:
0x0: {  	s2 =	sld [smem:$0x3FD9]  }
0x1: {  	s3 =	sld [smem:$0x3FFE];
	_ =	sdelay $0x1  }
0x2: {  	s1 =	srdreg.scid  }
0x3: {  	s0 =	sand.u32 $0x1, s1  }
0x4: {  	s18 =	sshll.u32 s0, $0xA;
	s2 =	sadd.s32 s3, s2  }
0x5: {  	s2 =	sadd.s32 s2, s18  }
0x6: {  	[smem:$0x3FC6] =	sst s2  }
0x7: {  	_ = 	snop  }
0x8: {  	s2 =	sld [smem:$0x3FC8];
	(tm) =	ssettm $0x1  }
0x9: {  	s19 =	sld [smem:$0x3FFB];
	_ =	sdelay $0x3  }
0xa: {  	_ =	strace s19  }
0xb: {  	s3 =	sld [smem:$0x3FFC];
	_ =	sdelay $0x3  }
0xc: {  	_ =	strace s3  }
0xd: {  	s3 =	sld [smem:$0x3FFD];
	_ =	sdelay $0x3  }
0xe: {  	_ =	strace s3  }
0xf: {  	_ =	strace $0x8FFFFFFF  }
0x10: {  	s20 =	sld [smem:$0x3FDB];
	_ =	sdelay $0x1  }
0x11: {  	s4 =	simm.s32 $_scs_section_size  }
0x12: {  	s5 =	simm.s32 $_size__tile_overlayer_lowered;
	s6 =	simm.s32 $_tile_overlayer_lowered  }
0x13: {  	s23 =	simm.s32 $0x1BFF;
	s22 =	sshll.u32 s6, $0x1;
	s3 =	sadd.s32 s4, s20  }
0x14: {  	s7 =	simm.s32 $0x0;
	s21 =	sshll.u32 s5, $0x1;
	s5 =	sadd.s32 s22, s3  }
0x15: {  	[timem:s7], [sflag:s23] =	dma.local [hbm:s5], s21  }
0x16: {  	_ =	swait.ge [sflag:s23], s21  }
0x17: {  	s4 =	ssub.s32 $0x0, s21;
	[sflag:s23] =	ssyncset.done $0x0  }
0x18: {  	[sflag:s23] =	ssyncadd.s32 s4;
	_ =	sdelay $0x1  }
0x19: {  	s24 =	simm.s32 $0x1B8B  }
0x1a: {  	_ =	swait.ge [sflag:s24], $0x1  }
0x1b: {  	[sflag:s24] =	ssyncset.done $0x0  }
0x1c: {  	s26 =	simm.s32 $0x1B8E;
	s25 =	sld [smem:$0x3FFE];
	[sflag:s24] =	ssyncadd.s32 $0xFFFFFFFF  }
0x1d: {  	s27 =	simm.s32 $execute0_lowered;
	[smem:$0x3FD2] =	sst s26  }
0x1e: {  	s5 =	sshll.u32 s27, $0x1;
	_ =	strace $0x80000046;
	[dreg:$0x1] =	wrdreg $0xFFFFFFFF  }
0x1f: {  	s28 =	simm.s32 $_size_execute0_lowered;
	s3 =	sadd.s32 s3, s5;
	[dreg:$0x0] =	wrdreg $0x0  }
0x20: {  	s5 =	sshll.u32 s28, $0x1;
	[dreg:$0x2] =	wrdreg s3  }
0x21: {  	[dreg:$0x3] =	wrdreg s5  }
0x22: {  	[dreg:$0x4] =	wrdreg $0xC0  }
0x23: {  	_ =	task [dreg:s7], $0x5FFFF  }
0x24: {  	[dreg:$0x1] =	wrdreg $0xFFFFFFFF  }
0x25: {  	[dreg:$0x0] =	wrdreg $0x60  }
0x26: {  	[dreg:$0x2] =	wrdreg s2  }
0x27: {  	[dreg:$0x3] =	wrdreg s25  }
0x28: {  	[dreg:$0x4] =	wrdreg $0x9  }
0x29: {  	_ =	task.clear_ibuf [dreg:s7], $0x5FFFF;
	_ =	strace $0x90000046  }
0x2a: {  	s29 =	simm.s32 $0x9;
	_ =	strace $0x80000048  }
0x2b: {  	_ =	swait.ge [sflag:s29], $0x1  }
0x2c: {  	[sflag:s29] =	ssyncadd.s32 $0xFFFFFFFF  }
0x2d: {  	_ =	strace $0x90000048  }
0x2e: {  	_ =	sfence  }
0x2f: {  	s30 =	sld [smem:$0x0];
	_ =	sdelay $0x2  }
0x30: {  	s31 =	sshll.u32 s1, $0xD;
	s1 =	sshrl.u32 s1, $0x2  }
0x31: {  	s3 =	sand.u32 $0x4000, s31;
	s1 =	sadd.s32 s1, s30  }
0x32: {  	s0 =	sor.u32 s3, s0;
	s1 =	sshll.u32 s1, $0x11  }
0x33: {  	s0 =	sor.u32 s1, s0  }
0x34: {  	s0 =	sadd.s32 $0x8F2B, s0  }
0x35: {  	[sflag:s0] =	ssyncadd.remote.s32 $0x1  }
0x36: {  	_ =	sfence.sel $0xFFFF  }
0x37: {  	[dreg:$0x0] =	wrdreg $0xFFFFFFFF;
	(pc) =	sbr.abs _section_cstart, $3  }
0x38: {  	[dreg:$0x1] =	wrdreg $0xFFFFFFFF  }
0x39: {  	_ =	task.clear_ibuf [dreg:s7], $0x2FFFF;
	_ =	strace $0x9FFFFFFF  }
0x3a: {  	(tm) =	ssettm $0x7FFFFFFF  }
0x3b: {  	_ =	shalt  }
tec
execute0_lowered:
.L_overlay_start_1:
0x0: {  	(tag) =	ssettag $0x1  }
0x1: {  	s2 =	rddreg [dreg:$0x0]  }
0x2: {  	s1 =	rddreg [dreg:$0x1]  }
0x3: {  	s0 =	rddreg [dreg:$0x2];
	_ =	strace $0x80000047;
	s4 =	srdreg.scid  }
0x4: {  	s6 =	simm.s32 $0x2;
	s11 =	simm.s32 $0x0;
	p0 =	por $0x0, $0x0  }
.Ltmp0:
0x5: {  	s7 =	simm.s32 $0x1000;
	s12 =	simm.s32 $0x0;
	(pc) =	sbr.rel .LBB1_1-.Ltmp0, $4  }
0x6: {  	s9 =	simm.s32 $0x0;
	s3 =	sadd.s32 $0x800, s1;
	s5 =	sshll.u32 s4, $0x4  }
0x7: {  	s1 =	stileid.u32;
	s4 =	simm.s32 $0x1;
	s5 =	sand.u32 $0x10, s5  }
0x8: {  	s8 =	simm.s32 $0x0;
	[sflag:s4] =	ssyncpa.u1 $0x0;
	s5 =	sor.u32 s1, s5  }
0x9: {  	[sflag:s6] =	ssyncpa.u1 $0x0;
	s6 =	simm.s32 $0x800;
	s10 =	smov.u32 s5  }
.LBB1_7:
0xa: {  	s13 =	sadd.s32 $0x10, s9  }
0xb: {  	s11 =	sadd.s32 $0x20, s10;
	s15 =	smov.u32 s10;
	p2 =	sgt.s32 s13, $0x1F  }
0xc: {  	p1 =	slt.u32 s8, $0x2;
	s15 =	smov.u32 @p2 s11  }
0xd: {  	s8 =	sadd.s32 $0x1, s8;
	s13 =	simm.s32 @p2 $0x0;
	p2 =	sgt.s32 s15, $0xF9F  }
0xe: {  	s15 =	smov.u32 @p2 s5;
	p2 =	sne.s32 s8, $0xFC  }
.Ltmp1:
0xf: {  	_ = 	snop;
	(pc) =	sbr.rel @!p2 .LBB1_8-.Ltmp1, $4  }
0x10: {  	s14 =	simm.s32 @!p1 $0x2  }
0x11: {  	s12 =	smov.u32 s10;
	_ =	swait.ge @!p1 [sflag:s14], $0x4000  }
0x12: {  	p0 =	por !p0, !p0;
	s11 =	smov.u32 s9;
	[sflag:s14] =	ssyncset.done @!p1 $0x0  }
0x13: {  	s9 =	smov.u32 s13;
	[sflag:s14] =	ssyncadd.s32 @!p1 $0xFFFFC000;
	s10 =	smov.u32 s15  }
.LBB1_1:
0x14: {  	p1 =	sgt.u32 s8, $0xF9  }
0x15: {  	s13 =	sxor.u32 @!p1 $0xFFFFFFFF, s8;
	s14 =	sshll.u32 @!p1 s10, $0xC  }
0x16: {  	s15 =	sshll.u32 @!p1 s9, $0x7;
	s13 =	sshll.u32 @!p1 s13, $0xE;
	s14 =	sadd.s32 @!p1 s2, s14  }
0x17: {  	s13 =	sand.u32 @!p1 $0x4000, s13;
	s14 =	sadd.s32 @!p1 s15, s14;
	s15 =	simm.s32 @!p1 $0x0  }
0x18: {  	[tilespmem:s13], [sflag:$0x1] =	stream.linear.gather @!p1 [hbm4b:s14+s15], $0x4000, $0x38;
	[tilespmem:$0x10000] =	vst v63  }
0x19: {  	p1 =	seq.s32 s8, $0x0  }
0x1a: {  	p2 =	seq.s32 @!p1 s8, $0xFB  }
0x1b: {  	p1 =	por p1, p2  }
.Ltmp2:
0x1c: {  	_ = 	snop;
	(pc) =	sbr.rel @p1 .LBB1_7-.Ltmp2, $1  }
0x1d: {  	_ =	sdelay $0x3  }
0x1e: {  	s13 =	simm.s32 $0x1;
	_ =	swait.ge [sflag:s4], $0x4000;
	s16 =	sshll.u32 s8, $0xE  }
0x1f: {  	s13 =	simm.s32 @!p0 $0x0;
	[sflag:s4] =	ssyncset.done $0x0;
	s31 =	sand.u32 $0x4000, s16  }
0x20: {  	s16 =	simm.s32 $0x0;
	s14 =	sshll.u32 s13, $0xE;
	[sflag:s4] =	ssyncadd.s32 $0xFFFFC000  }
0x21: {  	s13 =	sor.u32 $0x8040, s14;
	s15 =	sor.u32 $0x40, s14;
	s14 =	sor.u32 $0x8000, s31  }
.LBB1_3:
0x22: {  	v0 =	vmov s15;
	_ =	sdelay $0x3  }
0x23: {  	s18 =	simm.s32 $0x0  }
0x24: {  	v6 =	vld.idx.msk [tilespmem:v0+s18+$0x30 ss:$0x1], $0xffff  }
0x25: {  	v7 =	vld.idx.msk [tilespmem:v0+s18+$0xFFFFFFC0 ss:$0x1], $0xffff  }
0x26: {  	v5 =	vld.idx.msk [tilespmem:v0+s18+$0xFFFFFFD0 ss:$0x1], $0xffff  }
0x27: {  	v4 =	vld.idx.msk [tilespmem:v0+s18+$0xFFFFFFE0 ss:$0x1], $0xffff  }
0x28: {  	v3 =	vld.idx.msk [tilespmem:v0+s18+$0xFFFFFFF0 ss:$0x1], $0xffff  }
0x29: {  	v1 =	vld.idx.msk [tilespmem:v0+s18+$0x0 ss:$0x1], $0xffff  }
0x2a: {  	v2 =	vld.idx.msk [tilespmem:v0+s18+$0x10 ss:$0x1], $0xffff;
	[tilespmem:s13+$0x30] =	vst v6  }
0x2b: {  	s17 =	simm.s32 $0x80;
	s19 =	simm.s32 $0x400;
	[tilespmem:s13+$0xFFFFFFC0] =	vst v7;
	v6 =	vld.idx.msk [tilespmem:v0+s18+$0x20 ss:$0x1], $0xffff;
	s18 =	smov.u32 s13  }
.LBB1_4:
0x2c: {  	p1 =	sne.s32 s19, $0xE00;
	v7 =	vld.idx.msk [tilespmem:v0+s17+$0x30 ss:$0x1], $0xffff;
	[tilespmem:s18+$0xFFFFFFD0] =	vst v5  }
0x2d: {  	v8 =	vld.idx.msk [tilespmem:v0+s17+$0xFFFFFFC0 ss:$0x1], $0xffff;
	[tilespmem:s18+$0xFFFFFFE0] =	vst v4  }
0x2e: {  	v5 =	vld.idx.msk [tilespmem:v0+s17+$0xFFFFFFD0 ss:$0x1], $0xffff;
	[tilespmem:s18+$0xFFFFFFF0] =	vst v3  }
.Ltmp3:
0x2f: {  	v4 =	vld.idx.msk [tilespmem:v0+s17+$0xFFFFFFE0 ss:$0x1], $0xffff;
	[tilespmem:s18+$0x0] =	vst v1;
	(pc) =	sbr.rel @p1 .LBB1_4-.Ltmp3, $4  }
0x30: {  	v3 =	vld.idx.msk [tilespmem:v0+s17+$0xFFFFFFF0 ss:$0x1], $0xffff;
	[tilespmem:s18+$0x10] =	vst v2  }
0x31: {  	v1 =	vld.idx.msk [tilespmem:v0+s17+$0x0 ss:$0x1], $0xffff;
	[tilespmem:s18+$0x20] =	vst v6;
	s18 =	sadd.s32 $0x800, s18  }
0x32: {  	v2 =	vld.idx.msk [tilespmem:v0+s17+$0x10 ss:$0x1], $0xffff;
	[tilespmem:s18+$0x30] =	vst v7  }
0x33: {  	[tilespmem:s18+$0xFFFFFFC0] =	vst v8;
	v6 =	vld.idx.msk [tilespmem:v0+s17+$0x20 ss:$0x1], $0xffff;
	s17 =	sshra.s32 s19, $0x2;
	s19 =	sadd.s32 $0x200, s19  }
0x34: {  	_ =	sdelay $0x2  }
0x35: {  	[tilespmem:s18+$0xFFFFFFD0] =	vst v5  }
0x36: {  	v56 =	vld.idx.msk [tilespmem:v0+s17+$0x30 ss:$0x1], $0xffff;
	[tilespmem:s18+$0xFFFFFFE0] =	vst v4  }
0x37: {  	v57 =	vld.idx.msk [tilespmem:v0+s17+$0xFFFFFFC0 ss:$0x1], $0xffff;
	[tilespmem:s18+$0xFFFFFFF0] =	vst v3  }
0x38: {  	v58 =	vld.idx.msk [tilespmem:v0+s17+$0xFFFFFFD0 ss:$0x1], $0xffff;
	[tilespmem:s18+$0x0] =	vst v1  }
0x39: {  	v59 =	vld.idx.msk [tilespmem:v0+s17+$0xFFFFFFE0 ss:$0x1], $0xffff;
	[tilespmem:s18+$0x10] =	vst v2  }
0x3a: {  	v60 =	vld.idx.msk [tilespmem:v0+s17+$0xFFFFFFF0 ss:$0x1], $0xffff;
	s31 =	sadd.s32 $0x800, s18;
	[tilespmem:s18+$0x20] =	vst v6  }
0x3b: {  	v61 =	vld.idx.msk [tilespmem:v0+s17+$0x0 ss:$0x1], $0xffff;
	[tilespmem:s31+$0x30] =	vst v56  }
0x3c: {  	v62 =	vld.idx.msk [tilespmem:v0+s17+$0x10 ss:$0x1], $0xffff;
	s16 =	sadd.s32 $0x1, s16;
	[tilespmem:s31+$0xFFFFFFC0] =	vst v57  }
0x3d: {  	v63 =	vld.idx.msk [tilespmem:v0+s17+$0x20 ss:$0x1], $0xffff;
	p1 =	sne.s32 s16, $0x10;
	[tilespmem:s31+$0xFFFFFFD0] =	vst v58  }
.Ltmp4:
0x3e: {  	[tilespmem:s31+$0xFFFFFFE0] =	vst v59;
	(pc) =	sbr.rel @p1 .LBB1_3-.Ltmp4, $4  }
0x3f: {  	[tilespmem:s31+$0xFFFFFFF0] =	vst v60  }
0x40: {  	[tilespmem:s31+$0x0] =	vst v61  }
0x41: {  	[tilespmem:s31+$0x10] =	vst v62  }
0x42: {  	s13 =	sadd.s32 $0x80, s13;
	s15 =	sadd.s32 $0x400, s15;
	[tilespmem:s31+$0x20] =	vst v63  }
.Ltmp5:
0x43: {  	(pc) =	sbr.rel .LBB1_7-.Ltmp5, $4  }
0x44: {  	s12 =	sshll.u32 s12, $0xC;
	s11 =	sshll.u32 s11, $0x4  }
0x45: {  	s11 =	sand.u32 $0x1F0, s11;
	s12 =	sadd.s32 s3, s12  }
0x46: {  	s11 =	sadd.s32 s11, s12  }
0x47: {  	[hbm4b:s11+s6] =	stream.strided.scatter [tilespmem:s14], [sflag:$0x2], $0x4000, s7, s6, $0x38;
	[tilespmem:$0x10000] =	vst v63  }
.LBB1_8:
0x48: {  	_ =	sfence.sel $0x180000  }
0x49: {  	s2 =	simm.s32 $0x1;
	[bflag:$0x0] =	sbarrier.arrive $0xFFFF  }
0x4a: {  	s31 =	simm.s32 $0x2;
	[sflag:s2] =	ssyncpa.u1 $0x1  }
0x4b: {  	[sflag:s31] =	ssyncpa.u1 $0x1  }
0x4c: {  	p0 =	sne.s32 s1, $0x0;
	_ =	strace $0x90000047  }
0x4d: {  	s0 =	sadd.s32 @!p0 $0x100000, s0;
	[bflag:$0x2] =	sbarrier.arrive $0xFFFF  }
0x4e: {  	[sflag:s0] =	ssyncadd.tile.s32 @!p0 $0x1;
	_ =	shalt  }
.Lfunc_end1:
_tile_overlayer_lowered:
.L_overlay_start_2:
0x4f: {  	(tag) =	ssettag $0x2  }
0x50: {  	s0 =	rddreg [dreg:$0x0];
	s2 =	stileid.u32  }
0x51: {  	s1 =	rddreg [dreg:$0x1];
	p0 =	sne.s32 s2, $0x0  }
0x52: {  	s3 =	rddreg [dreg:$0x2];
	[bflag:$0x3] =	sbarrier.arrive $0xFFFF;
	s2 =	simm.s32 @!p0 $0x1C01  }
0x53: {  	[timem:s3], [sflag:s2] =	dma.local @!p0 [hbm:s0], s1  }
0x54: {  	s0 =	simm.s32 @!p0 $0x1  }
0x55: {  	_ =	swait.ge @!p0 [sflag:s0], s1  }
0x56: {  	s1 =	ssub.s32 @!p0 $0x0, s1;
	[sflag:s0] =	ssyncset.done @!p0 $0x0  }
0x57: {  	[sflag:s0] =	ssyncadd.s32 @!p0 s1  }
0x58: {  	[bflag:$0x3] =	sbarrier.arrive $0xFFFF  }
0x59: {  	_ =	shalt  }

</sc_bundles>
